<compile_context>
chip_gen: v7x
topology: tpu7x:2x2x1
jax: 0.10.2.dev20260603
libtpu: 0.0.44.dev20260713+nightly
codegen_flags: <defaults>
</compile_context>

<pallas_src>
import functools

import jax
import jax.numpy as jnp
from jax import lax
from jax.experimental import pallas as pl
from jax.experimental.pallas import tpu as pltpu
from jax.experimental.pallas import tpu_sc as plsc

_SUSCEPT = (0.6, 0.7, 0.3, 0.5, 0.6, 0.8, 0.9, 1.0, 0.9, 0.8, 0.5)

_OUT_D = 128
_N_STAGES = 11
_BATCH = 16384
_PAD_S = 16


def _table_body(sus_ref, table_ref, w1_ref, b1_ref, w2_ref, b2_ref,
                wf_ref, bf_ref, out_ref):
    sus = sus_ref[...]
    h = jnp.maximum(sus * w1_ref[...] + b1_ref[...], 0.0)
    sus_emb = jnp.dot(h, w2_ref[...], preferred_element_type=jnp.float32) + b2_ref[...]
    table_pad = jnp.concatenate(
        [table_ref[...],
         jnp.zeros((_PAD_S - _N_STAGES, table_ref.shape[1]), jnp.float32)],
        axis=0)
    combined = jnp.concatenate([table_pad, sus_emb], axis=1)
    out_ref[...] = jnp.dot(combined, wf_ref[...],
                           preferred_element_type=jnp.float32) + bf_ref[...]


_SUS_COL = None


def _sus_col():
    global _SUS_COL
    if _SUS_COL is None:
        import numpy as np
        _SUS_COL = jnp.asarray(
            np.pad(np.asarray(_SUSCEPT, np.float32),
                   (0, _PAD_S - _N_STAGES)).reshape(_PAD_S, 1))
    return _SUS_COL


def _build_table(table, w1, b1, w2, b2, wf, bf, interpret=False):
    return pl.pallas_call(
        _table_body,
        out_shape=jax.ShapeDtypeStruct((_PAD_S, _OUT_D), jnp.float32),
        interpret=interpret,
    )(_sus_col(), table, w1, b1, w2, b2, wf, bf)


_NUM_CORES = 2
_NUM_SUBCORES = 16
_NW = _NUM_CORES * _NUM_SUBCORES
_BPW = _BATCH // _NW
_CHUNK = 128
_NCH = _BPW // _CHUNK


@functools.cache
def _make_gather():
    @functools.partial(
        pl.kernel,
        out_type=jax.ShapeDtypeStruct((_BATCH, _OUT_D), jnp.float32),
        mesh=plsc.VectorSubcoreMesh(core_axis_name="c", subcore_axis_name="s",
                                    num_cores=_NUM_CORES,
                                    num_subcores=_NUM_SUBCORES),
        scratch_types=[
            pltpu.VMEM((_BPW,), jnp.int32),
            pltpu.VMEM((_NCH, _CHUNK, _OUT_D), jnp.float32),
            pltpu.VMEM_SHARED((_PAD_S, _OUT_D), jnp.float32),
        ]
        + [pltpu.SemaphoreType.DMA] * (2 * _NCH + 1),
    )
    def _gather_rows(tbl_hbm, sid_hbm, out_hbm, idx_v, rows_v, tbl_sh,
                     tsem, *sems):
        sid = lax.axis_index("s")
        wid = sid * _NUM_CORES + lax.axis_index("c")
        gsem = sems[:_NCH]
        wsem = sems[_NCH:]
        tbl_cp = []

        @pl.when(sid == 0)
        def _():
            tbl_cp.append(pltpu.async_copy(tbl_hbm, tbl_sh, tsem))

        pltpu.sync_copy(sid_hbm.at[pl.ds(wid * _BPW, _BPW)], idx_v)

        @pl.when(sid == 0)
        def _():
            tbl_cp[0].wait()

        plsc.subcore_barrier()

        gathers = [
            pltpu.async_copy(
                tbl_sh.at[idx_v.at[pl.ds(j * _CHUNK, _CHUNK)]],
                rows_v.at[j], gsem[j])
            for j in range(_NCH)
        ]
        writes = []
        for j in range(_NCH):
            gathers[j].wait()
            writes.append(pltpu.async_copy(
                rows_v.at[j],
                out_hbm.at[pl.ds(wid * _BPW + j * _CHUNK, _CHUNK)], wsem[j]))
        for w in writes:
            w.wait()

    return _gather_rows


def kernel(stage_id, table, W1, b1, W2, b2, Wf, bf):
    tbl = _build_table(table, W1, b1, W2, b2, Wf, bf)
    return _make_gather()(tbl, stage_id.astype(jnp.int32))

# --- scband reference (transcript-rebuilt; emitter-appended) ---
"""Pipeline reference for scband-growth-stage-encoder-22385369547449 (READ-ONLY COPY).

The authoritative reference and input builder live on the scoring server;
editing this copy changes nothing except your own understanding.
"""

import jax, jax.numpy as jnp
import numpy as np

OUTPUT_DIM = 128
NUM_STAGES = 11
BATCH = 16384

SUSCEPTIBILITY = jnp.array([0.6, 0.7, 0.3, 0.5, 0.6, 0.8, 0.9, 1.0, 0.9, 0.8, 0.5], dtype=jnp.float32)


def setup_inputs(seed: int = 0) -> dict:
    key = jax.random.key(seed)
    ks = jax.random.split(key, 8)
    half = OUTPUT_DIM // 2      # 64
    quarter = OUTPUT_DIM // 4   # 32
    stage_id = jax.random.randint(ks[0], (BATCH,), 0, NUM_STAGES, dtype=jnp.int64 if jax.config.jax_enable_x64 else jnp.int32)
    table = jax.random.normal(ks[1], (NUM_STAGES, half), dtype=jnp.float32)
    W1 = jax.random.normal(ks[2], (1, quarter), dtype=jnp.float32) * (1.0 / np.sqrt(1.0))
    b1 = jnp.zeros((quarter,), dtype=jnp.float32)
    W2 = jax.random.normal(ks[3], (quarter, half), dtype=jnp.float32) * (1.0 / np.sqrt(quarter))
    b2 = jnp.zeros((half,), dtype=jnp.float32)
    Wf = jax.random.normal(ks[4], (OUTPUT_DIM, OUTPUT_DIM), dtype=jnp.float32) * (1.0 / np.sqrt(OUTPUT_DIM))
    bf = jnp.zeros((OUTPUT_DIM,), dtype=jnp.float32)
    return {"stage_id": stage_id, "table": table, "W1": W1, "b1": b1, "W2": W2, "b2": b2, "Wf": Wf, "bf": bf}


def reference(stage_id, table, W1, b1, W2, b2, Wf, bf):
    # stage embedding lookup (gather)
    stage_emb = jnp.take(table, stage_id, axis=0)                    # [B, 64]
    # susceptibility lookup (gather from fixed buffer)
    sus = jnp.take(SUSCEPTIBILITY, stage_id, axis=0)[:, None]        # [B, 1]
    h = jax.nn.relu(sus @ W1 + b1)                                   # [B, 32]
    sus_emb = h @ W2 + b2                                            # [B, 64]
    combined = jnp.concatenate([stage_emb, sus_emb], axis=-1)        # [B, 128]
    out = combined @ Wf + bf                                         # [B, 128]
    return out

if __name__ == "__main__":
    import jax
    _d = setup_inputs()
    print(jax.jit(kernel)(*tuple(_d.values())))

</pallas_src>

<mosaic_0001>
#map = affine_map<(d0, d1) -> (0, 0)>
#map1 = affine_map<(d0, d1) -> (0)>
module attributes {stable_mosaic.version = 14 : i64} {
  func.func @_gather_rows(%arg0: i32, %arg1: i32, %arg2: memref<16x128xf32, #tpu.memory_space<hbm>>, %arg3: memref<16384xi32, #tpu.memory_space<hbm>>, %arg4: memref<16384x128xf32, #tpu.memory_space<hbm>>, %arg5: memref<512xi32, #tpu.memory_space<vmem>>, %arg6: memref<4x128x128xf32, #tpu.memory_space<vmem>>, %arg7: memref<16x128xf32, #tpu.memory_space<vmem_shared>>, %arg8: memref<!tpu.dma_semaphore, #tpu.memory_space<semaphore_mem>>, %arg9: memref<!tpu.dma_semaphore, #tpu.memory_space<semaphore_mem>>, %arg10: memref<!tpu.dma_semaphore, #tpu.memory_space<semaphore_mem>>, %arg11: memref<!tpu.dma_semaphore, #tpu.memory_space<semaphore_mem>>, %arg12: memref<!tpu.dma_semaphore, #tpu.memory_space<semaphore_mem>>, %arg13: memref<!tpu.dma_semaphore, #tpu.memory_space<semaphore_mem>>, %arg14: memref<!tpu.dma_semaphore, #tpu.memory_space<semaphore_mem>>, %arg15: memref<!tpu.dma_semaphore, #tpu.memory_space<semaphore_mem>>, %arg16: memref<!tpu.dma_semaphore, #tpu.memory_space<semaphore_mem>>) attributes {dimension_semantics = [#tpu.dimension_semantics<core_parallel>, #tpu.dimension_semantics<subcore_parallel>], iteration_bounds = array<i64: 2, 16>, scalar_prefetch = 0 : i64, scratch_operands = 12 : i64, tpu.core_type = #tpu.core_type<sc_vector_subcore>, window_params = [{transform_indices = #map}, {transform_indices = #map1}, {transform_indices = #map}]} {
    %mul3A = arith.constant 2 : i32
    %mul3A_0 = arith.muli %arg1, %mul3A : i32
    %add3A = arith.addi %mul3A_0, %arg0 : i32
    %eq3A = arith.constant 0 : i32
    %eq3A_1 = arith.cmpi eq, %arg1, %eq3A : i32
    %convert_element_type3A = arith.extui %eq3A_1 : i1 to i32
    %cond3A = arith.constant 0 : i32
    %cond3A_2 = arith.cmpi ne, %convert_element_type3A, %cond3A : i32
    scf.if %cond3A_2 {
      tpu.enqueue_dma source(%arg2 : memref<16x128xf32, #tpu.memory_space<hbm>>) target(%arg7 : memref<16x128xf32, #tpu.memory_space<vmem_shared>>) target_semaphore(%arg8 : memref<!tpu.dma_semaphore, #tpu.memory_space<semaphore_mem>>)
    } else {
    }
    %mul3A_3 = arith.constant 512 : i32
    %mul3A_4 = arith.muli %add3A, %mul3A_3 : i32
    "tpu.region"() ({
      %run_scoped3A = tpu.sem_alloc : memref<!tpu.dma_semaphore, #tpu.memory_space<semaphore_mem>>
      %dma_start3A_208 = tpu.memref_slice %arg3[%mul3A_4] : memref<16384xi32, #tpu.memory_space<hbm>> -> memref<512xi32, #tpu.memory_space<hbm>>
      %dma_start3A_209 = tpu.memref_slice %arg3[%mul3A_4] : memref<16384xi32, #tpu.memory_space<hbm>> -> memref<512xi32, #tpu.memory_space<hbm>>
      tpu.enqueue_dma source(%dma_start3A_209 : memref<512xi32, #tpu.memory_space<hbm>>) target(%arg5 : memref<512xi32, #tpu.memory_space<vmem>>) target_semaphore(%run_scoped3A : memref<!tpu.dma_semaphore, #tpu.memory_space<semaphore_mem>>)
      %dma_wait3A_210 = tpu.memref_slice %arg3[%mul3A_4] : memref<16384xi32, #tpu.memory_space<hbm>> -> memref<512xi32, #tpu.memory_space<hbm>>
      %dma_wait3A_211 = tpu.memref_slice %arg3[%mul3A_4] : memref<16384xi32, #tpu.memory_space<hbm>> -> memref<512xi32, #tpu.memory_space<hbm>>
      tpu.wait_dma2 semaphore(%run_scoped3A : memref<!tpu.dma_semaphore, #tpu.memory_space<semaphore_mem>>) src(%dma_wait3A_211 : memref<512xi32, #tpu.memory_space<hbm>>) dst(%arg5 : memref<512xi32, #tpu.memory_space<vmem>>)
      tpu.yield
    }) : () -> ()
    %eq3A_5 = arith.constant 0 : i32
    %eq3A_6 = arith.cmpi eq, %arg1, %eq3A_5 : i32
    %convert_element_type3A_7 = arith.extui %eq3A_6 : i1 to i32
    %cond3A_8 = arith.constant 0 : i32
    %cond3A_9 = arith.cmpi ne, %convert_element_type3A_7, %cond3A_8 : i32
    scf.if %cond3A_9 {
      tpu.wait_dma2 semaphore(%arg8 : memref<!tpu.dma_semaphore, #tpu.memory_space<semaphore_mem>>) src(%arg2 : memref<16x128xf32, #tpu.memory_space<hbm>>) dst(%arg7 : memref<16x128xf32, #tpu.memory_space<vmem_shared>>)
    } else {
    }
    %barrier3A = arith.constant 0 : index
    tpu.barrier barrier_id(%barrier3A)
    %dma_start3A = arith.constant 0 : i32
    %dma_start3A_10 = arith.constant 0 : i32
    %dma_start3A_11 = arith.constant 0 : i32
    %dma_start3A_12 = tpu.memref_slice %arg6[%dma_start3A, %dma_start3A_10, %dma_start3A_11] : memref<4x128x128xf32, #tpu.memory_space<vmem>> -> memref<1x128x128xf32, #tpu.memory_space<vmem>>
    %dma_start3A_13 = tpu.memref_squeeze %dma_start3A_12 : memref<1x128x128xf32, #tpu.memory_space<vmem>> -> memref<128x128xf32, #tpu.memory_space<vmem>>
    %dma_start3A_14 = arith.constant 0 : i32
    %dma_start3A_15 = tpu.memref_slice %arg5[%dma_start3A_14] : memref<512xi32, #tpu.memory_space<vmem>> -> memref<128xi32, #tpu.memory_space<vmem>>
    %dma_start3A_16 = arith.constant 0 : i32
    %dma_start3A_17 = arith.constant 0 : i32
    %dma_start3A_18 = tpu.memref_slice %arg7[%dma_start3A_16, %dma_start3A_17] : memref<16x128xf32, #tpu.memory_space<vmem_shared>> -> memref<16x128xf32, #tpu.memory_space<vmem_shared>>
    tpu.enqueue_indirect_dma source(%dma_start3A_18 : memref<16x128xf32, #tpu.memory_space<vmem_shared>>) target(%dma_start3A_13 : memref<128x128xf32, #tpu.memory_space<vmem>>) offsets(%dma_start3A_15 : memref<128xi32, #tpu.memory_space<vmem>>) semaphore(%arg9 : memref<!tpu.dma_semaphore, #tpu.memory_space<semaphore_mem>>)
    %dma_start3A_19 = arith.constant 1 : i32
    %dma_start3A_20 = arith.constant 0 : i32
    %dma_start3A_21 = arith.constant 0 : i32
    %dma_start3A_22 = tpu.memref_slice %arg6[%dma_start3A_19, %dma_start3A_20, %dma_start3A_21] : memref<4x128x128xf32, #tpu.memory_space<vmem>> -> memref<1x128x128xf32, #tpu.memory_space<vmem>>
    %dma_start3A_23 = tpu.memref_squeeze %dma_start3A_22 : memref<1x128x128xf32, #tpu.memory_space<vmem>> -> memref<128x128xf32, #tpu.memory_space<vmem>>
    %dma_start3A_24 = arith.constant 128 : i32
    %dma_start3A_25 = tpu.memref_slice %arg5[%dma_start3A_24] : memref<512xi32, #tpu.memory_space<vmem>> -> memref<128xi32, #tpu.memory_space<vmem>>
    %dma_start3A_26 = arith.constant 0 : i32
    %dma_start3A_27 = arith.constant 0 : i32
    %dma_start3A_28 = tpu.memref_slice %arg7[%dma_start3A_26, %dma_start3A_27] : memref<16x128xf32, #tpu.memory_space<vmem_shared>> -> memref<16x128xf32, #tpu.memory_space<vmem_shared>>
    tpu.enqueue_indirect_dma source(%dma_start3A_28 : memref<16x128xf32, #tpu.memory_space<vmem_shared>>) target(%dma_start3A_23 : memref<128x128xf32, #tpu.memory_space<vmem>>) offsets(%dma_start3A_25 : memref<128xi32, #tpu.memory_space<vmem>>) semaphore(%arg10 : memref<!tpu.dma_semaphore, #tpu.memory_space<semaphore_mem>>)
    %dma_start3A_29 = arith.constant 2 : i32
    %dma_start3A_30 = arith.constant 0 : i32
    %dma_start3A_31 = arith.constant 0 : i32
    %dma_start3A_32 = tpu.memref_slice %arg6[%dma_start3A_29, %dma_start3A_30, %dma_start3A_31] : memref<4x128x128xf32, #tpu.memory_space<vmem>> -> memref<1x128x128xf32, #tpu.memory_space<vmem>>
    %dma_start3A_33 = tpu.memref_squeeze %dma_start3A_32 : memref<1x128x128xf32, #tpu.memory_space<vmem>> -> memref<128x128xf32, #tpu.memory_space<vmem>>
    %dma_start3A_34 = arith.constant 256 : i32
    %dma_start3A_35 = tpu.memref_slice %arg5[%dma_start3A_34] : memref<512xi32, #tpu.memory_space<vmem>> -> memref<128xi32, #tpu.memory_space<vmem>>
    %dma_start3A_36 = arith.constant 0 : i32
    %dma_start3A_37 = arith.constant 0 : i32
    %dma_start3A_38 = tpu.memref_slice %arg7[%dma_start3A_36, %dma_start3A_37] : memref<16x128xf32, #tpu.memory_space<vmem_shared>> -> memref<16x128xf32, #tpu.memory_space<vmem_shared>>
    tpu.enqueue_indirect_dma source(%dma_start3A_38 : memref<16x128xf32, #tpu.memory_space<vmem_shared>>) target(%dma_start3A_33 : memref<128x128xf32, #tpu.memory_space<vmem>>) offsets(%dma_start3A_35 : memref<128xi32, #tpu.memory_space<vmem>>) semaphore(%arg11 : memref<!tpu.dma_semaphore, #tpu.memory_space<semaphore_mem>>)
    %dma_start3A_39 = arith.constant 3 : i32
    %dma_start3A_40 = arith.constant 0 : i32
    %dma_start3A_41 = arith.constant 0 : i32
    %dma_start3A_42 = tpu.memref_slice %arg6[%dma_start3A_39, %dma_start3A_40, %dma_start3A_41] : memref<4x128x128xf32, #tpu.memory_space<vmem>> -> memref<1x128x128xf32, #tpu.memory_space<vmem>>
    %dma_start3A_43 = tpu.memref_squeeze %dma_start3A_42 : memref<1x128x128xf32, #tpu.memory_space<vmem>> -> memref<128x128xf32, #tpu.memory_space<vmem>>
    %dma_start3A_44 = arith.constant 384 : i32
    %dma_start3A_45 = tpu.memref_slice %arg5[%dma_start3A_44] : memref<512xi32, #tpu.memory_space<vmem>> -> memref<128xi32, #tpu.memory_space<vmem>>
    %dma_start3A_46 = arith.constant 0 : i32
    %dma_start3A_47 = arith.constant 0 : i32
    %dma_start3A_48 = tpu.memref_slice %arg7[%dma_start3A_46, %dma_start3A_47] : memref<16x128xf32, #tpu.memory_space<vmem_shared>> -> memref<16x128xf32, #tpu.memory_space<vmem_shared>>
    tpu.enqueue_indirect_dma source(%dma_start3A_48 : memref<16x128xf32, #tpu.memory_space<vmem_shared>>) target(%dma_start3A_43 : memref<128x128xf32, #tpu.memory_space<vmem>>) offsets(%dma_start3A_45 : memref<128xi32, #tpu.memory_space<vmem>>) semaphore(%arg12 : memref<!tpu.dma_semaphore, #tpu.memory_space<semaphore_mem>>)
    %dma_wait3A = arith.constant 0 : i32
    %dma_wait3A_49 = arith.constant 0 : i32
    %dma_wait3A_50 = arith.constant 0 : i32
    %dma_wait3A_51 = tpu.memref_slice %arg6[%dma_wait3A, %dma_wait3A_49, %dma_wait3A_50] : memref<4x128x128xf32, #tpu.memory_space<vmem>> -> memref<1x128x128xf32, #tpu.memory_space<vmem>>
    %dma_wait3A_52 = tpu.memref_squeeze %dma_wait3A_51 : memref<1x128x128xf32, #tpu.memory_space<vmem>> -> memref<128x128xf32, #tpu.memory_space<vmem>>
    %dma_wait3A_53 = arith.constant 0 : i32
    %dma_wait3A_54 = tpu.memref_slice %arg5[%dma_wait3A_53] : memref<512xi32, #tpu.memory_space<vmem>> -> memref<128xi32, #tpu.memory_space<vmem>>
    %dma_wait3A_55 = arith.constant 0 : i32
    %dma_wait3A_56 = arith.constant 0 : i32
    %dma_wait3A_57 = tpu.memref_slice %arg7[%dma_wait3A_55, %dma_wait3A_56] : memref<16x128xf32, #tpu.memory_space<vmem_shared>> -> memref<16x128xf32, #tpu.memory_space<vmem_shared>>
    tpu.wait_indirect_dma semaphore(%arg9 : memref<!tpu.dma_semaphore, #tpu.memory_space<semaphore_mem>>) src(%dma_wait3A_57 : memref<16x128xf32, #tpu.memory_space<vmem_shared>>) dst(%dma_wait3A_52 : memref<128x128xf32, #tpu.memory_space<vmem>>)
    %mul3A_58 = arith.constant 512 : i32
    %mul3A_59 = arith.muli %add3A, %mul3A_58 : i32
    %add3A_60 = arith.constant 0 : i32
    %add3A_61 = arith.addi %mul3A_59, %add3A_60 : i32
    %dma_start3A_62 = arith.constant 0 : i32
    %dma_start3A_63 = arith.constant 0 : i32
    %dma_start3A_64 = arith.constant 0 : i32
    %dma_start3A_65 = tpu.memref_slice %arg6[%dma_start3A_62, %dma_start3A_63, %dma_start3A_64] : memref<4x128x128xf32, #tpu.memory_space<vmem>> -> memref<1x128x128xf32, #tpu.memory_space<vmem>>
    %dma_start3A_66 = tpu.memref_squeeze %dma_start3A_65 : memref<1x128x128xf32, #tpu.memory_space<vmem>> -> memref<128x128xf32, #tpu.memory_space<vmem>>
    %dma_start3A_67 = arith.constant 0 : i32
    %dma_start3A_68 = tpu.memref_slice %arg4[%add3A_61, %dma_start3A_67] : memref<16384x128xf32, #tpu.memory_space<hbm>> -> memref<128x128xf32, #tpu.memory_space<hbm>>
    %dma_start3A_69 = arith.constant 0 : i32
    %dma_start3A_70 = tpu.memref_slice %arg4[%add3A_61, %dma_start3A_69] : memref<16384x128xf32, #tpu.memory_space<hbm>> -> memref<128x128xf32, #tpu.memory_space<hbm>>
    %dma_start3A_71 = arith.constant 0 : i32
    %dma_start3A_72 = arith.constant 0 : i32
    %dma_start3A_73 = tpu.memref_slice %arg6[%dma_start3A_62, %dma_start3A_71, %dma_start3A_72] : memref<4x128x128xf32, #tpu.memory_space<vmem>> -> memref<1x128x128xf32, #tpu.memory_space<vmem>>
    %dma_start3A_74 = tpu.memref_squeeze %dma_start3A_73 : memref<1x128x128xf32, #tpu.memory_space<vmem>> -> memref<128x128xf32, #tpu.memory_space<vmem>>
    tpu.enqueue_dma source(%dma_start3A_74 : memref<128x128xf32, #tpu.memory_space<vmem>>) target(%dma_start3A_70 : memref<128x128xf32, #tpu.memory_space<hbm>>) target_semaphore(%arg13 : memref<!tpu.dma_semaphore, #tpu.memory_space<semaphore_mem>>)
    %dma_wait3A_75 = arith.constant 1 : i32
    %dma_wait3A_76 = arith.constant 0 : i32
    %dma_wait3A_77 = arith.constant 0 : i32
    %dma_wait3A_78 = tpu.memref_slice %arg6[%dma_wait3A_75, %dma_wait3A_76, %dma_wait3A_77] : memref<4x128x128xf32, #tpu.memory_space<vmem>> -> memref<1x128x128xf32, #tpu.memory_space<vmem>>
    %dma_wait3A_79 = tpu.memref_squeeze %dma_wait3A_78 : memref<1x128x128xf32, #tpu.memory_space<vmem>> -> memref<128x128xf32, #tpu.memory_space<vmem>>
    %dma_wait3A_80 = arith.constant 128 : i32
    %dma_wait3A_81 = tpu.memref_slice %arg5[%dma_wait3A_80] : memref<512xi32, #tpu.memory_space<vmem>> -> memref<128xi32, #tpu.memory_space<vmem>>
    %dma_wait3A_82 = arith.constant 0 : i32
    %dma_wait3A_83 = arith.constant 0 : i32
    %dma_wait3A_84 = tpu.memref_slice %arg7[%dma_wait3A_82, %dma_wait3A_83] : memref<16x128xf32, #tpu.memory_space<vmem_shared>> -> memref<16x128xf32, #tpu.memory_space<vmem_shared>>
    tpu.wait_indirect_dma semaphore(%arg10 : memref<!tpu.dma_semaphore, #tpu.memory_space<semaphore_mem>>) src(%dma_wait3A_84 : memref<16x128xf32, #tpu.memory_space<vmem_shared>>) dst(%dma_wait3A_79 : memref<128x128xf32, #tpu.memory_space<vmem>>)
    %mul3A_85 = arith.constant 512 : i32
    %mul3A_86 = arith.muli %add3A, %mul3A_85 : i32
    %add3A_87 = arith.constant 128 : i32
    %add3A_88 = arith.addi %mul3A_86, %add3A_87 : i32
    %dma_start3A_89 = arith.constant 1 : i32
    %dma_start3A_90 = arith.constant 0 : i32
    %dma_start3A_91 = arith.constant 0 : i32
    %dma_start3A_92 = tpu.memref_slice %arg6[%dma_start3A_89, %dma_start3A_90, %dma_start3A_91] : memref<4x128x128xf32, #tpu.memory_space<vmem>> -> memref<1x128x128xf32, #tpu.memory_space<vmem>>
    %dma_start3A_93 = tpu.memref_squeeze %dma_start3A_92 : memref<1x128x128xf32, #tpu.memory_space<vmem>> -> memref<128x128xf32, #tpu.memory_space<vmem>>
    %dma_start3A_94 = arith.constant 0 : i32
    %dma_start3A_95 = tpu.memref_slice %arg4[%add3A_88, %dma_start3A_94] : memref<16384x128xf32, #tpu.memory_space<hbm>> -> memref<128x128xf32, #tpu.memory_space<hbm>>
    %dma_start3A_96 = arith.constant 0 : i32
    %dma_start3A_97 = tpu.memref_slice %arg4[%add3A_88, %dma_start3A_96] : memref<16384x128xf32, #tpu.memory_space<hbm>> -> memref<128x128xf32, #tpu.memory_space<hbm>>
    %dma_start3A_98 = arith.constant 0 : i32
    %dma_start3A_99 = arith.constant 0 : i32
    %dma_start3A_100 = tpu.memref_slice %arg6[%dma_start3A_89, %dma_start3A_98, %dma_start3A_99] : memref<4x128x128xf32, #tpu.memory_space<vmem>> -> memref<1x128x128xf32, #tpu.memory_space<vmem>>
    %dma_start3A_101 = tpu.memref_squeeze %dma_start3A_100 : memref<1x128x128xf32, #tpu.memory_space<vmem>> -> memref<128x128xf32, #tpu.memory_space<vmem>>
    tpu.enqueue_dma source(%dma_start3A_101 : memref<128x128xf32, #tpu.memory_space<vmem>>) target(%dma_start3A_97 : memref<128x128xf32, #tpu.memory_space<hbm>>) target_semaphore(%arg14 : memref<!tpu.dma_semaphore, #tpu.memory_space<semaphore_mem>>)
    %dma_wait3A_102 = arith.constant 2 : i32
    %dma_wait3A_103 = arith.constant 0 : i32
    %dma_wait3A_104 = arith.constant 0 : i32
    %dma_wait3A_105 = tpu.memref_slice %arg6[%dma_wait3A_102, %dma_wait3A_103, %dma_wait3A_104] : memref<4x128x128xf32, #tpu.memory_space<vmem>> -> memref<1x128x128xf32, #tpu.memory_space<vmem>>
    %dma_wait3A_106 = tpu.memref_squeeze %dma_wait3A_105 : memref<1x128x128xf32, #tpu.memory_space<vmem>> -> memref<128x128xf32, #tpu.memory_space<vmem>>
    %dma_wait3A_107 = arith.constant 256 : i32
    %dma_wait3A_108 = tpu.memref_slice %arg5[%dma_wait3A_107] : memref<512xi32, #tpu.memory_space<vmem>> -> memref<128xi32, #tpu.memory_space<vmem>>
    %dma_wait3A_109 = arith.constant 0 : i32
    %dma_wait3A_110 = arith.constant 0 : i32
    %dma_wait3A_111 = tpu.memref_slice %arg7[%dma_wait3A_109, %dma_wait3A_110] : memref<16x128xf32, #tpu.memory_space<vmem_shared>> -> memref<16x128xf32, #tpu.memory_space<vmem_shared>>
    tpu.wait_indirect_dma semaphore(%arg11 : memref<!tpu.dma_semaphore, #tpu.memory_space<semaphore_mem>>) src(%dma_wait3A_111 : memref<16x128xf32, #tpu.memory_space<vmem_shared>>) dst(%dma_wait3A_106 : memref<128x128xf32, #tpu.memory_space<vmem>>)
    %mul3A_112 = arith.constant 512 : i32
    %mul3A_113 = arith.muli %add3A, %mul3A_112 : i32
    %add3A_114 = arith.constant 256 : i32
    %add3A_115 = arith.addi %mul3A_113, %add3A_114 : i32
    %dma_start3A_116 = arith.constant 2 : i32
    %dma_start3A_117 = arith.constant 0 : i32
    %dma_start3A_118 = arith.constant 0 : i32
    %dma_start3A_119 = tpu.memref_slice %arg6[%dma_start3A_116, %dma_start3A_117, %dma_start3A_118] : memref<4x128x128xf32, #tpu.memory_space<vmem>> -> memref<1x128x128xf32, #tpu.memory_space<vmem>>
    %dma_start3A_120 = tpu.memref_squeeze %dma_start3A_119 : memref<1x128x128xf32, #tpu.memory_space<vmem>> -> memref<128x128xf32, #tpu.memory_space<vmem>>
    %dma_start3A_121 = arith.constant 0 : i32
    %dma_start3A_122 = tpu.memref_slice %arg4[%add3A_115, %dma_start3A_121] : memref<16384x128xf32, #tpu.memory_space<hbm>> -> memref<128x128xf32, #tpu.memory_space<hbm>>
    %dma_start3A_123 = arith.constant 0 : i32
    %dma_start3A_124 = tpu.memref_slice %arg4[%add3A_115, %dma_start3A_123] : memref<16384x128xf32, #tpu.memory_space<hbm>> -> memref<128x128xf32, #tpu.memory_space<hbm>>
    %dma_start3A_125 = arith.constant 0 : i32
    %dma_start3A_126 = arith.constant 0 : i32
    %dma_start3A_127 = tpu.memref_slice %arg6[%dma_start3A_116, %dma_start3A_125, %dma_start3A_126] : memref<4x128x128xf32, #tpu.memory_space<vmem>> -> memref<1x128x128xf32, #tpu.memory_space<vmem>>
    %dma_start3A_128 = tpu.memref_squeeze %dma_start3A_127 : memref<1x128x128xf32, #tpu.memory_space<vmem>> -> memref<128x128xf32, #tpu.memory_space<vmem>>
    tpu.enqueue_dma source(%dma_start3A_128 : memref<128x128xf32, #tpu.memory_space<vmem>>) target(%dma_start3A_124 : memref<128x128xf32, #tpu.memory_space<hbm>>) target_semaphore(%arg15 : memref<!tpu.dma_semaphore, #tpu.memory_space<semaphore_mem>>)
    %dma_wait3A_129 = arith.constant 3 : i32
    %dma_wait3A_130 = arith.constant 0 : i32
    %dma_wait3A_131 = arith.constant 0 : i32
    %dma_wait3A_132 = tpu.memref_slice %arg6[%dma_wait3A_129, %dma_wait3A_130, %dma_wait3A_131] : memref<4x128x128xf32, #tpu.memory_space<vmem>> -> memref<1x128x128xf32, #tpu.memory_space<vmem>>
    %dma_wait3A_133 = tpu.memref_squeeze %dma_wait3A_132 : memref<1x128x128xf32, #tpu.memory_space<vmem>> -> memref<128x128xf32, #tpu.memory_space<vmem>>
    %dma_wait3A_134 = arith.constant 384 : i32
    %dma_wait3A_135 = tpu.memref_slice %arg5[%dma_wait3A_134] : memref<512xi32, #tpu.memory_space<vmem>> -> memref<128xi32, #tpu.memory_space<vmem>>
    %dma_wait3A_136 = arith.constant 0 : i32
    %dma_wait3A_137 = arith.constant 0 : i32
    %dma_wait3A_138 = tpu.memref_slice %arg7[%dma_wait3A_136, %dma_wait3A_137] : memref<16x128xf32, #tpu.memory_space<vmem_shared>> -> memref<16x128xf32, #tpu.memory_space<vmem_shared>>
    tpu.wait_indirect_dma semaphore(%arg12 : memref<!tpu.dma_semaphore, #tpu.memory_space<semaphore_mem>>) src(%dma_wait3A_138 : memref<16x128xf32, #tpu.memory_space<vmem_shared>>) dst(%dma_wait3A_133 : memref<128x128xf32, #tpu.memory_space<vmem>>)
    %mul3A_139 = arith.constant 512 : i32
    %mul3A_140 = arith.muli %add3A, %mul3A_139 : i32
    %add3A_141 = arith.constant 384 : i32
    %add3A_142 = arith.addi %mul3A_140, %add3A_141 : i32
    %dma_start3A_143 = arith.constant 3 : i32
    %dma_start3A_144 = arith.constant 0 : i32
    %dma_start3A_145 = arith.constant 0 : i32
    %dma_start3A_146 = tpu.memref_slice %arg6[%dma_start3A_143, %dma_start3A_144, %dma_start3A_145] : memref<4x128x128xf32, #tpu.memory_space<vmem>> -> memref<1x128x128xf32, #tpu.memory_space<vmem>>
    %dma_start3A_147 = tpu.memref_squeeze %dma_start3A_146 : memref<1x128x128xf32, #tpu.memory_space<vmem>> -> memref<128x128xf32, #tpu.memory_space<vmem>>
    %dma_start3A_148 = arith.constant 0 : i32
    %dma_start3A_149 = tpu.memref_slice %arg4[%add3A_142, %dma_start3A_148] : memref<16384x128xf32, #tpu.memory_space<hbm>> -> memref<128x128xf32, #tpu.memory_space<hbm>>
    %dma_start3A_150 = arith.constant 0 : i32
    %dma_start3A_151 = tpu.memref_slice %arg4[%add3A_142, %dma_start3A_150] : memref<16384x128xf32, #tpu.memory_space<hbm>> -> memref<128x128xf32, #tpu.memory_space<hbm>>
    %dma_start3A_152 = arith.constant 0 : i32
    %dma_start3A_153 = arith.constant 0 : i32
    %dma_start3A_154 = tpu.memref_slice %arg6[%dma_start3A_143, %dma_start3A_152, %dma_start3A_153] : memref<4x128x128xf32, #tpu.memory_space<vmem>> -> memref<1x128x128xf32, #tpu.memory_space<vmem>>
    %dma_start3A_155 = tpu.memref_squeeze %dma_start3A_154 : memref<1x128x128xf32, #tpu.memory_space<vmem>> -> memref<128x128xf32, #tpu.memory_space<vmem>>
    tpu.enqueue_dma source(%dma_start3A_155 : memref<128x128xf32, #tpu.memory_space<vmem>>) target(%dma_start3A_151 : memref<128x128xf32, #tpu.memory_space<hbm>>) target_semaphore(%arg16 : memref<!tpu.dma_semaphore, #tpu.memory_space<semaphore_mem>>)
    %dma_wait3A_156 = arith.constant 0 : i32
    %dma_wait3A_157 = arith.constant 0 : i32
    %dma_wait3A_158 = arith.constant 0 : i32
    %dma_wait3A_159 = tpu.memref_slice %arg6[%dma_wait3A_156, %dma_wait3A_157, %dma_wait3A_158] : memref<4x128x128xf32, #tpu.memory_space<vmem>> -> memref<1x128x128xf32, #tpu.memory_space<vmem>>
    %dma_wait3A_160 = tpu.memref_squeeze %dma_wait3A_159 : memref<1x128x128xf32, #tpu.memory_space<vmem>> -> memref<128x128xf32, #tpu.memory_space<vmem>>
    %dma_wait3A_161 = arith.constant 0 : i32
    %dma_wait3A_162 = tpu.memref_slice %arg4[%add3A_61, %dma_wait3A_161] : memref<16384x128xf32, #tpu.memory_space<hbm>> -> memref<128x128xf32, #tpu.memory_space<hbm>>
    %dma_wait3A_163 = arith.constant 0 : i32
    %dma_wait3A_164 = tpu.memref_slice %arg4[%add3A_61, %dma_wait3A_163] : memref<16384x128xf32, #tpu.memory_space<hbm>> -> memref<128x128xf32, #tpu.memory_space<hbm>>
    %dma_wait3A_165 = arith.constant 0 : i32
    %dma_wait3A_166 = arith.constant 0 : i32
    %dma_wait3A_167 = tpu.memref_slice %arg6[%dma_wait3A_156, %dma_wait3A_165, %dma_wait3A_166] : memref<4x128x128xf32, #tpu.memory_space<vmem>> -> memref<1x128x128xf32, #tpu.memory_space<vmem>>
    %dma_wait3A_168 = tpu.memref_squeeze %dma_wait3A_167 : memref<1x128x128xf32, #tpu.memory_space<vmem>> -> memref<128x128xf32, #tpu.memory_space<vmem>>
    tpu.wait_dma2 semaphore(%arg13 : memref<!tpu.dma_semaphore, #tpu.memory_space<semaphore_mem>>) src(%dma_wait3A_168 : memref<128x128xf32, #tpu.memory_space<vmem>>) dst(%dma_wait3A_164 : memref<128x128xf32, #tpu.memory_space<hbm>>)
    %dma_wait3A_169 = arith.constant 1 : i32
    %dma_wait3A_170 = arith.constant 0 : i32
    %dma_wait3A_171 = arith.constant 0 : i32
    %dma_wait3A_172 = tpu.memref_slice %arg6[%dma_wait3A_169, %dma_wait3A_170, %dma_wait3A_171] : memref<4x128x128xf32, #tpu.memory_space<vmem>> -> memref<1x128x128xf32, #tpu.memory_space<vmem>>
    %dma_wait3A_173 = tpu.memref_squeeze %dma_wait3A_172 : memref<1x128x128xf32, #tpu.memory_space<vmem>> -> memref<128x128xf32, #tpu.memory_space<vmem>>
    %dma_wait3A_174 = arith.constant 0 : i32
    %dma_wait3A_175 = tpu.memref_slice %arg4[%add3A_88, %dma_wait3A_174] : memref<16384x128xf32, #tpu.memory_space<hbm>> -> memref<128x128xf32, #tpu.memory_space<hbm>>
    %dma_wait3A_176 = arith.constant 0 : i32
    %dma_wait3A_177 = tpu.memref_slice %arg4[%add3A_88, %dma_wait3A_176] : memref<16384x128xf32, #tpu.memory_space<hbm>> -> memref<128x128xf32, #tpu.memory_space<hbm>>
    %dma_wait3A_178 = arith.constant 0 : i32
    %dma_wait3A_179 = arith.constant 0 : i32
    %dma_wait3A_180 = tpu.memref_slice %arg6[%dma_wait3A_169, %dma_wait3A_178, %dma_wait3A_179] : memref<4x128x128xf32, #tpu.memory_space<vmem>> -> memref<1x128x128xf32, #tpu.memory_space<vmem>>
    %dma_wait3A_181 = tpu.memref_squeeze %dma_wait3A_180 : memref<1x128x128xf32, #tpu.memory_space<vmem>> -> memref<128x128xf32, #tpu.memory_space<vmem>>
    tpu.wait_dma2 semaphore(%arg14 : memref<!tpu.dma_semaphore, #tpu.memory_space<semaphore_mem>>) src(%dma_wait3A_181 : memref<128x128xf32, #tpu.memory_space<vmem>>) dst(%dma_wait3A_177 : memref<128x128xf32, #tpu.memory_space<hbm>>)
    %dma_wait3A_182 = arith.constant 2 : i32
    %dma_wait3A_183 = arith.constant 0 : i32
    %dma_wait3A_184 = arith.constant 0 : i32
    %dma_wait3A_185 = tpu.memref_slice %arg6[%dma_wait3A_182, %dma_wait3A_183, %dma_wait3A_184] : memref<4x128x128xf32, #tpu.memory_space<vmem>> -> memref<1x128x128xf32, #tpu.memory_space<vmem>>
    %dma_wait3A_186 = tpu.memref_squeeze %dma_wait3A_185 : memref<1x128x128xf32, #tpu.memory_space<vmem>> -> memref<128x128xf32, #tpu.memory_space<vmem>>
    %dma_wait3A_187 = arith.constant 0 : i32
    %dma_wait3A_188 = tpu.memref_slice %arg4[%add3A_115, %dma_wait3A_187] : memref<16384x128xf32, #tpu.memory_space<hbm>> -> memref<128x128xf32, #tpu.memory_space<hbm>>
    %dma_wait3A_189 = arith.constant 0 : i32
    %dma_wait3A_190 = tpu.memref_slice %arg4[%add3A_115, %dma_wait3A_189] : memref<16384x128xf32, #tpu.memory_space<hbm>> -> memref<128x128xf32, #tpu.memory_space<hbm>>
    %dma_wait3A_191 = arith.constant 0 : i32
    %dma_wait3A_192 = arith.constant 0 : i32
    %dma_wait3A_193 = tpu.memref_slice %arg6[%dma_wait3A_182, %dma_wait3A_191, %dma_wait3A_192] : memref<4x128x128xf32, #tpu.memory_space<vmem>> -> memref<1x128x128xf32, #tpu.memory_space<vmem>>
    %dma_wait3A_194 = tpu.memref_squeeze %dma_wait3A_193 : memref<1x128x128xf32, #tpu.memory_space<vmem>> -> memref<128x128xf32, #tpu.memory_space<vmem>>
    tpu.wait_dma2 semaphore(%arg15 : memref<!tpu.dma_semaphore, #tpu.memory_space<semaphore_mem>>) src(%dma_wait3A_194 : memref<128x128xf32, #tpu.memory_space<vmem>>) dst(%dma_wait3A_190 : memref<128x128xf32, #tpu.memory_space<hbm>>)
    %dma_wait3A_195 = arith.constant 3 : i32
    %dma_wait3A_196 = arith.constant 0 : i32
    %dma_wait3A_197 = arith.constant 0 : i32
    %dma_wait3A_198 = tpu.memref_slice %arg6[%dma_wait3A_195, %dma_wait3A_196, %dma_wait3A_197] : memref<4x128x128xf32, #tpu.memory_space<vmem>> -> memref<1x128x128xf32, #tpu.memory_space<vmem>>
    %dma_wait3A_199 = tpu.memref_squeeze %dma_wait3A_198 : memref<1x128x128xf32, #tpu.memory_space<vmem>> -> memref<128x128xf32, #tpu.memory_space<vmem>>
    %dma_wait3A_200 = arith.constant 0 : i32
    %dma_wait3A_201 = tpu.memref_slice %arg4[%add3A_142, %dma_wait3A_200] : memref<16384x128xf32, #tpu.memory_space<hbm>> -> memref<128x128xf32, #tpu.memory_space<hbm>>
    %dma_wait3A_202 = arith.constant 0 : i32
    %dma_wait3A_203 = tpu.memref_slice %arg4[%add3A_142, %dma_wait3A_202] : memref<16384x128xf32, #tpu.memory_space<hbm>> -> memref<128x128xf32, #tpu.memory_space<hbm>>
    %dma_wait3A_204 = arith.constant 0 : i32
    %dma_wait3A_205 = arith.constant 0 : i32
    %dma_wait3A_206 = tpu.memref_slice %arg6[%dma_wait3A_195, %dma_wait3A_204, %dma_wait3A_205] : memref<4x128x128xf32, #tpu.memory_space<vmem>> -> memref<1x128x128xf32, #tpu.memory_space<vmem>>
    %dma_wait3A_207 = tpu.memref_squeeze %dma_wait3A_206 : memref<1x128x128xf32, #tpu.memory_space<vmem>> -> memref<128x128xf32, #tpu.memory_space<vmem>>
    tpu.wait_dma2 semaphore(%arg16 : memref<!tpu.dma_semaphore, #tpu.memory_space<semaphore_mem>>) src(%dma_wait3A_207 : memref<128x128xf32, #tpu.memory_space<vmem>>) dst(%dma_wait3A_203 : memref<128x128xf32, #tpu.memory_space<hbm>>)
    return
  }
}

module attributes {stable_mosaic.version = 14 : i64} {
  func.func @_table_body(%arg0: memref<16x1xf32, #tpu.memory_space<vmem>>, %arg1: memref<11x64xf32, #tpu.memory_space<vmem>>, %arg2: memref<1x32xf32, #tpu.memory_space<vmem>>, %arg3: memref<32xf32, #tpu.memory_space<vmem>>, %arg4: memref<32x64xf32, #tpu.memory_space<vmem>>, %arg5: memref<64xf32, #tpu.memory_space<vmem>>, %arg6: memref<128x128xf32, #tpu.memory_space<vmem>>, %arg7: memref<128xf32, #tpu.memory_space<vmem>>, %arg8: memref<16x128xf32, #tpu.memory_space<vmem>>) attributes {dimension_semantics = [], scalar_prefetch = 0 : i64, scratch_operands = 0 : i64, tpu.core_type = #tpu.core_type<tc>} {
    %get3A = arith.constant 0 : index
    %get3A_0 = arith.constant 0 : index
    %get3A_1 = vector.load %arg0[%get3A, %get3A_0] : memref<16x1xf32, #tpu.memory_space<vmem>>, vector<16x1xf32>
    %get3A_2 = arith.constant 0 : index
    %get3A_3 = arith.constant 0 : index
    %get3A_4 = vector.load %arg2[%get3A_2, %get3A_3] : memref<1x32xf32, #tpu.memory_space<vmem>>, vector<1x32xf32>
    %mul3A = vector.broadcast %get3A_1 : vector<16x1xf32> to vector<16x32xf32>
    %mul3A_5 = vector.broadcast %get3A_4 : vector<1x32xf32> to vector<16x32xf32>
    %mul3A_6 = arith.mulf %mul3A, %mul3A_5 : vector<16x32xf32>
    %get3A_7 = arith.constant 0 : index
    %get3A_8 = vector.load %arg3[%get3A_7] : memref<32xf32, #tpu.memory_space<vmem>>, vector<32xf32>
    %broadcast_in_dim3A = vector.shape_cast %get3A_8 : vector<32xf32> to vector<1x32xf32>
    %add3A = vector.broadcast %broadcast_in_dim3A : vector<1x32xf32> to vector<16x32xf32>
    %add3A_9 = arith.addf %mul3A_6, %add3A : vector<16x32xf32>
    %max3A = arith.constant 0.000000e+00 : f32
    %max3A_10 = vector.broadcast %max3A : f32 to vector<16x32xf32>
    %max3A_11 = arith.maximumf %add3A_9, %max3A_10 : vector<16x32xf32>
    %get3A_12 = arith.constant 0 : index
    %get3A_13 = arith.constant 0 : index
    %get3A_14 = vector.load %arg4[%get3A_12, %get3A_13] : memref<32x64xf32, #tpu.memory_space<vmem>>, vector<32x64xf32>
    %dot_general3A = arith.constant dense<0.000000e+00> : vector<16x64xf32>
    %dot_general3A_15 = tpu.matmul %max3A_11, %get3A_14, %dot_general3A {dimension_numbers = #tpu.dot_dimension_numbers<[1], [0], [0], [1], [0, 0, 1, 1], [], []>, transpose_lhs_hint = false} : vector<16x32xf32>, vector<32x64xf32>, vector<16x64xf32> -> vector<16x64xf32>
    %get3A_16 = arith.constant 0 : index
    %get3A_17 = vector.load %arg5[%get3A_16] : memref<64xf32, #tpu.memory_space<vmem>>, vector<64xf32>
    %broadcast_in_dim3A_18 = vector.shape_cast %get3A_17 : vector<64xf32> to vector<1x64xf32>
    %add3A_19 = vector.broadcast %broadcast_in_dim3A_18 : vector<1x64xf32> to vector<16x64xf32>
    %add3A_20 = arith.addf %dot_general3A_15, %add3A_19 : vector<16x64xf32>
    %get3A_21 = arith.constant 0 : index
    %get3A_22 = arith.constant 0 : index
    %get3A_23 = vector.load %arg1[%get3A_21, %get3A_22] : memref<11x64xf32, #tpu.memory_space<vmem>>, vector<11x64xf32>
    %broadcast_in_dim3A_24 = arith.constant 0.000000e+00 : f32
    %broadcast_in_dim3A_25 = vector.broadcast %broadcast_in_dim3A_24 : f32 to vector<5x64xf32>
    %concatenate3A = tpu.concatenate %get3A_23, %broadcast_in_dim3A_25 in 0 : vector<11x64xf32>, vector<5x64xf32> -> vector<16x64xf32>
    %concatenate3A_26 = tpu.concatenate %concatenate3A, %add3A_20 in 1 : vector<16x64xf32>, vector<16x64xf32> -> vector<16x128xf32>
    %get3A_27 = arith.constant 0 : index
    %get3A_28 = arith.constant 0 : index
    %get3A_29 = vector.load %arg6[%get3A_27, %get3A_28] : memref<128x128xf32, #tpu.memory_space<vmem>>, vector<128x128xf32>
    %dot_general3A_30 = arith.constant dense<0.000000e+00> : vector<16x128xf32>
    %dot_general3A_31 = tpu.matmul %concatenate3A_26, %get3A_29, %dot_general3A_30 {dimension_numbers = #tpu.dot_dimension_numbers<[1], [0], [0], [1], [0, 0, 1, 1], [], []>, transpose_lhs_hint = false} : vector<16x128xf32>, vector<128x128xf32>, vector<16x128xf32> -> vector<16x128xf32>
    %get3A_32 = arith.constant 0 : index
    %get3A_33 = vector.load %arg7[%get3A_32] : memref<128xf32, #tpu.memory_space<vmem>>, vector<128xf32>
    %broadcast_in_dim3A_34 = vector.shape_cast %get3A_33 : vector<128xf32> to vector<1x128xf32>
    %add3A_35 = vector.broadcast %broadcast_in_dim3A_34 : vector<1x128xf32> to vector<16x128xf32>
    %add3A_36 = arith.addf %dot_general3A_31, %add3A_35 : vector<16x128xf32>
    %swap3A = arith.constant 0 : index
    %swap3A_37 = arith.constant 0 : index
    %swap3A_38 = vector.load %arg8[%swap3A, %swap3A_37] : memref<16x128xf32, #tpu.memory_space<vmem>>, vector<16x128xf32>
    tpu.vector_store %arg8[%swap3A, %swap3A_37], %add3A_36 {strides = array<i32>} : memref<16x128xf32, #tpu.memory_space<vmem>>, vector<16x128xf32>,
    return
  }
}

</mosaic_0001>

<sc_bundles>
// kernel: kernel.4.cloned.1.call-start
scs
__scs_entry_jumppad:
0x0: {  	(pc) =	sbr.rel $0x88, $3  }
0x1: {  	(tag) =	ssettag $0x0;
	lr =	simm.s32 $0x1  }
0x2: {  	[smem:$0x3F99] =	sst lr;
	_ =	strace $0xD0000000  }
0x3: {  	_ = 	snop  }
0x4: {  	_ = 	snop  }
0x5: {  	_ = 	snop  }
0x6: {  	_ = 	snop  }
0x7: {  	_ = 	snop  }
__scs_overlays_trampoline_lowered:
0x8: {  	[smem:$0x3FA8] =	sst s0  }
0x9: {  	[smem:$0x3FA9] =	sst s1  }
0xa: {  	[smem:$0x3FAA] =	sst s2  }
0xb: {  	[smem:$0x3FAB] =	sst s3  }
0xc: {  	[smem:$0x3FAC] =	sst s4  }
0xd: {  	[smem:$0x3FAD] =	sst s5  }
0xe: {  	[smem:$0x3FAE] =	sst s6  }
0xf: {  	[smem:$0x3FAF] =	sst s7  }
0x10: {  	[smem:$0x3FB0] =	sst s8  }
0x11: {  	[smem:$0x3FB1] =	sst s9;
	s0 =	simm.s32 @!p0 $0x0  }
0x12: {  	s1 =	sld [smem:$0x3F97];
	s0 =	simm.s32 @p0 $0x1  }
0x13: {  	[smem:$0x3FB2] =	sst s0;
	s0 =	simm.s32 @!p1 $0x0  }
0x14: {  	s2 =	sld [smem:$0x3F96];
	s0 =	simm.s32 @p1 $0x1  }
0x15: {  	[smem:$0x3FB3] =	sst s0;
	s0 =	simm.s32 @!p2 $0x0  }
0x16: {  	s3 =	sld [smem:$0x3FDB];
	s0 =	simm.s32 @p2 $0x1  }
0x17: {  	s4 =	simm.s32 $0x1BF5;
	[smem:$0x3FB5] =	sst s0  }
0x18: {  	s0 =	sld [smem:$0x3F98];
	_ =	swait.ge [sflag:s4], $0x0  }
0x19: {  	s7 =	sld [smem:$0x3F99]  }
0x1a: {  	s8 =	sadd.s32 $0xFFFFE003, lr  }
0x1b: {  	s9 =	sadd.s32 $0xFFFFFEF7, lr;
	s5 =	simm.s32 $0xFFFFFFFF;
	p2 =	slt.u32 s8, $0xFFFFF086  }
0x1c: {  	p1 =	slt.u32 s9, $0xF7A;
	s5 =	simm.s32 @!p2 $0x0  }
0x1d: {  	s5 =	simm.s32 @p1 $0x1;
	p0 =	seq.s32 s7, s2  }
0x1e: {  	s7 =	smul.u32 @!p0 $0xF7A, s2;
	p2 =	seq.s32 @!p0 s5, $0x0  }
0x1f: {  	s9 =	smul.u32 $0xF7A, s1;
	s8 =	simm.s32 @!p0 $0x1BF5;
	p2 =	por !p2, p0  }
0x20: {  	[sflag:s8] =	ssyncset.s32 @!p0 $0xFFFFF086;
	s6 =	sadd.s32 @!p0 s3, s7;
	s7 =	simm.s32 @!p0 $0x108  }
0x21: {  	s3 =	sadd.s32 s3, s9;
	s6 =	sadd.s32 @!p0 $0x88, s6;
	s7 =	simm.s32 @p2 $0x1082  }
0x22: {  	[simem:s7], [sflag:s8] =	dma.local @!p0 [hbm:s6], $0xF7A  }
0x23: {  	s9 =	sor.u32 $0xD0000000, s2;
	s6 =	simm.s32 $0x108;
	_ =	swait.ge @!p0 [sflag:s8], $0x0  }
0x24: {  	s3 =	sadd.s32 $0x88, s3;
	s6 =	simm.s32 @!p1 $0x1082;
	[sflag:s4] =	ssyncset.s32 $0xFFFFF086  }
0x25: {  	[simem:s6], [sflag:s4] =	dma.local [hbm:s3], $0xF7A  }
0x26: {  	[smem:$0x3F99] =	sst s1;
	(tag) =	ssettag s2;
	_ =	strace s9  }
0x27: {  	s1 =	sld [smem:$0x3FA9]  }
0x28: {  	s2 =	sld [smem:$0x3FAA]  }
0x29: {  	s4 =	sld [smem:$0x3FAC]  }
0x2a: {  	p0 =	seq.s32 s5, $0x0;
	s5 =	sld [smem:$0x3FAD]  }
0x2b: {  	s6 =	sld [smem:$0x3FAE]  }
0x2c: {  	s7 =	sld [smem:$0x3FAF]  }
0x2d: {  	s3 =	simm.s32 $0x108;
	s8 =	sld [smem:$0x3FB0]  }
0x2e: {  	s3 =	simm.s32 @!p0 $0x1082;
	s9 =	sld [smem:$0x3FB1]  }
0x2f: {  	lr =	sadd.s32 s0, s3;
	s0 =	sld [smem:$0x3FA8]  }
0x30: {  	s3 =	sld [smem:$0x3FAB]  }
0x31: {  	[smem:$0x3FB4] =	sst s10  }
0x32: {  	s10 =	sld [smem:$0x3FB2];
	_ =	sdelay $0x3  }
0x33: {  	p0 =	seq.s32 s10, $0x1;
	s10 =	sld [smem:$0x3FB4];
	_ =	sdelay $0x3  }
0x34: {  	[smem:$0x3FB4] =	sst s10  }
0x35: {  	s10 =	sld [smem:$0x3FB3];
	_ =	sdelay $0x3  }
0x36: {  	p1 =	seq.s32 s10, $0x1;
	s10 =	sld [smem:$0x3FB4];
	_ =	sdelay $0x3  }
0x37: {  	[smem:$0x3FB4] =	sst s10  }
0x38: {  	s10 =	sld [smem:$0x3FB5]  }
0x39: {  	_ = 	snop;
	(pc) =	sbr.ind lr, $3  }
0x3a: {  	_ = 	snop  }
0x3b: {  	_ = 	snop  }
0x3c: {  	p2 =	seq.s32 s10, $0x1;
	s10 =	sld [smem:$0x3FB4]  }
0x3d: {  	_ =	shalt  }
0x3e: {  	_ =	shalt  }
0x3f: {  	_ =	shalt  }
0x40: {  	_ =	shalt  }
0x41: {  	_ =	shalt  }
0x42: {  	_ =	shalt  }
0x43: {  	_ =	shalt  }
0x44: {  	_ =	shalt  }
0x45: {  	_ =	shalt  }
0x46: {  	_ =	shalt  }
0x47: {  	_ =	shalt  }
0x48: {  	_ =	shalt  }
0x49: {  	_ =	shalt  }
0x4a: {  	_ =	shalt  }
0x4b: {  	_ =	shalt  }
0x4c: {  	_ =	shalt  }
0x4d: {  	_ =	shalt  }
0x4e: {  	_ =	shalt  }
0x4f: {  	_ =	shalt  }
0x50: {  	_ =	shalt  }
0x51: {  	_ =	shalt  }
0x52: {  	_ =	shalt  }
0x53: {  	_ =	shalt  }
0x54: {  	_ =	shalt  }
0x55: {  	_ =	shalt  }
0x56: {  	_ =	shalt  }
0x57: {  	_ =	shalt  }
0x58: {  	_ =	shalt  }
0x59: {  	_ =	shalt  }
0x5a: {  	_ =	shalt  }
0x5b: {  	_ =	shalt  }
0x5c: {  	_ =	shalt  }
0x5d: {  	_ =	shalt  }
0x5e: {  	_ =	shalt  }
0x5f: {  	_ =	shalt  }
0x60: {  	_ =	shalt  }
0x61: {  	_ =	shalt  }
0x62: {  	_ =	shalt  }
0x63: {  	_ =	shalt  }
0x64: {  	_ =	shalt  }
0x65: {  	_ =	shalt  }
0x66: {  	_ =	shalt  }
0x67: {  	_ =	shalt  }
0x68: {  	_ =	shalt  }
0x69: {  	_ =	shalt  }
0x6a: {  	_ =	shalt  }
0x6b: {  	_ =	shalt  }
0x6c: {  	_ =	shalt  }
0x6d: {  	_ =	shalt  }
0x6e: {  	_ =	shalt  }
0x6f: {  	_ =	shalt  }
0x70: {  	_ =	shalt  }
0x71: {  	_ =	shalt  }
0x72: {  	_ =	shalt  }
0x73: {  	_ =	shalt  }
0x74: {  	_ =	shalt  }
0x75: {  	_ =	shalt  }
0x76: {  	_ =	shalt  }
0x77: {  	_ =	shalt  }
0x78: {  	_ =	shalt  }
0x79: {  	_ =	shalt  }
0x7a: {  	_ =	shalt  }
0x7b: {  	_ =	shalt  }
0x7c: {  	_ =	shalt  }
0x7d: {  	_ =	shalt  }
0x7e: {  	_ =	shalt  }
0x7f: {  	_ =	shalt  }
0x80: {  	_ =	shalt  }
0x81: {  	_ =	shalt  }
0x82: {  	_ =	shalt  }
0x83: {  	_ =	shalt  }
0x84: {  	_ =	shalt  }
0x85: {  	_ =	shalt  }
0x86: {  	_ =	shalt  }
0x87: {  	_ =	shalt  }
.Lfunc_end0:
.L_simem_size_0:
called_computation_lowered:
.L_overlay_start_0:
0x88: {  	s2 =	sld [smem:$0x3FD9]  }
0x89: {  	s3 =	sld [smem:$0x3FFE];
	_ =	sdelay $0x1  }
0x8a: {  	s1 =	srdreg.scid  }
0x8b: {  	s0 =	sand.u32 $0x1, s1  }
0x8c: {  	s17 =	sshll.u32 s0, $0xA;
	s2 =	sadd.s32 s3, s2  }
0x8d: {  	s2 =	sadd.s32 s2, s17  }
0x8e: {  	[smem:$0x3FC0] =	sst s2  }
0x8f: {  	_ = 	snop  }
0x90: {  	s2 =	sld [smem:$0x3FC9]  }
0x91: {  	s18 =	sld [smem:$0x3FD0];
	(tm) =	ssettm $0x1  }
0x92: {  	s4 =	sld [smem:$0x3FFB];
	_ =	sdelay $0x3  }
0x93: {  	_ =	strace s4  }
0x94: {  	s4 =	sld [smem:$0x3FFC];
	_ =	sdelay $0x3  }
0x95: {  	_ =	strace s4  }
0x96: {  	s4 =	sld [smem:$0x3FFD];
	_ =	sdelay $0x3  }
0x97: {  	_ =	strace s4  }
0x98: {  	_ =	strace $0x8FFFFFFF  }
0x99: {  	s19 =	sld [smem:$0x3FDB];
	_ =	sdelay $0x1  }
0x9a: {  	s5 =	simm.s32 $_scs_section_size  }
0x9b: {  	s6 =	simm.s32 $_size__tile_overlayer_lowered;
	s7 =	simm.s32 $_tile_overlayer_lowered  }
0x9c: {  	s22 =	simm.s32 $0x1BFF;
	s21 =	sshll.u32 s7, $0x1;
	s4 =	sadd.s32 s5, s19  }
0x9d: {  	s8 =	simm.s32 $0x0;
	s20 =	sshll.u32 s6, $0x1;
	s6 =	sadd.s32 s21, s4  }
0x9e: {  	[timem:s8], [sflag:s22] =	dma.local [hbm:s6], s20  }
0x9f: {  	_ =	swait.ge [sflag:s22], s20  }
0xa0: {  	s5 =	ssub.s32 $0x0, s20;
	[sflag:s22] =	ssyncset.done $0x0  }
0xa1: {  	[sflag:s22] =	ssyncadd.s32 s5;
	_ =	sdelay $0x1  }
0xa2: {  	s23 =	simm.s32 $0x1B8B  }
0xa3: {  	_ =	swait.ge [sflag:s23], $0x1  }
0xa4: {  	[sflag:s23] =	ssyncset.done $0x0  }
0xa5: {  	s25 =	simm.s32 $0x1B8E;
	s24 =	sld [smem:$0x3FFE];
	[sflag:s23] =	ssyncadd.s32 $0xFFFFFFFF  }
0xa6: {  	s26 =	simm.s32 $execute0_lowered;
	[smem:$0x3FD2] =	sst s25  }
0xa7: {  	s6 =	sshll.u32 s26, $0x1;
	_ =	strace $0x80000046;
	[dreg:$0x1] =	wrdreg $0xFFFFFFFF  }
0xa8: {  	s28 =	simm.s32 $_size_execute0_lowered;
	s4 =	sadd.s32 s4, s6;
	[dreg:$0x0] =	wrdreg $0x0  }
0xa9: {  	s6 =	sshll.u32 s28, $0x1;
	[dreg:$0x2] =	wrdreg s4  }
0xaa: {  	[dreg:$0x3] =	wrdreg s6  }
0xab: {  	[dreg:$0x4] =	wrdreg $0xC0  }
0xac: {  	_ =	task [dreg:s8], $0x5FFFF  }
0xad: {  	[dreg:$0x1] =	wrdreg $0xFFFFFFFF  }
0xae: {  	[dreg:$0x0] =	wrdreg $0x60  }
0xaf: {  	[dreg:$0x2] =	wrdreg s24  }
0xb0: {  	[dreg:$0x3] =	wrdreg s2  }
0xb1: {  	[dreg:$0x4] =	wrdreg s18  }
0xb2: {  	[dreg:$0x5] =	wrdreg $0x102000  }
0xb3: {  	[dreg:$0x6] =	wrdreg $0x9  }
0xb4: {  	_ =	task.clear_ibuf [dreg:s8], $0x7FFFF;
	_ =	strace $0x90000046  }
0xb5: {  	s29 =	simm.s32 $0x9;
	_ =	strace $0x80000048  }
0xb6: {  	_ =	swait.ge [sflag:s29], $0x1  }
0xb7: {  	[sflag:s29] =	ssyncadd.s32 $0xFFFFFFFF  }
0xb8: {  	_ =	strace $0x90000048  }
0xb9: {  	_ =	sfence  }
0xba: {  	s30 =	sld [smem:$0x0];
	_ =	sdelay $0x2  }
0xbb: {  	s31 =	sshll.u32 s1, $0xD;
	s1 =	sshrl.u32 s1, $0x2  }
0xbc: {  	s3 =	sand.u32 $0x4000, s31;
	s1 =	sadd.s32 s1, s30  }
0xbd: {  	s0 =	sor.u32 s3, s0;
	s1 =	sshll.u32 s1, $0x11  }
0xbe: {  	s0 =	sor.u32 s1, s0  }
0xbf: {  	s0 =	sadd.s32 $0x8F2B, s0  }
0xc0: {  	[sflag:s0] =	ssyncadd.remote.s32 $0x1  }
0xc1: {  	_ =	sfence.sel $0xFFFF  }
0xc2: {  	[dreg:$0x0] =	wrdreg $0xFFFFFFFF;
	(pc) =	sbr.abs _section_cstart, $3  }
0xc3: {  	[dreg:$0x1] =	wrdreg $0xFFFFFFFF  }
0xc4: {  	_ =	task.clear_ibuf [dreg:s8], $0x2FFFF;
	_ =	strace $0x9FFFFFFF  }
0xc5: {  	(tm) =	ssettm $0x7FFFFFFF  }
tec
execute0_lowered:
.L_overlay_start_1:
0x0: {  	(tag) =	ssettag $0x1  }
0x1: {  	s3 =	rddreg [dreg:$0x0]  }
0x2: {  	s4 =	rddreg [dreg:$0x1]  }
0x3: {  	s5 =	rddreg [dreg:$0x2]  }
0x4: {  	s2 =	rddreg [dreg:$0x3]  }
0x5: {  	s25 =	rddreg [dreg:$0x4];
	s1 =	simm.s32 $0x0  }
0x6: {  	s6 =	srdreg.scid;
	s8 =	stileid.u32;
	s17 =	simm.s32 $0x80  }
0x7: {  	s15 =	simm.s32 $0x200;
	s13 =	simm.s32 $0x4200;
	s19 =	simm.s32 $0x100  }
0x8: {  	s11 =	simm.s32 $0x8200;
	s22 =	simm.s32 $0x180;
	s6 =	sand.u32 $0x1, s6  }
0x9: {  	s20 =	simm.s32 $0x2;
	s18 =	simm.s32 $0x3;
	s26 =	ssub.s32 $0x2, s6  }
0xa: {  	s16 =	simm.s32 $0x4;
	s14 =	simm.s32 $0x5;
	s29 =	sshrl.u32 s26, $0x1  }
0xb: {  	s12 =	simm.s32 $0x6;
	p1 =	por $0x0, $0x0;
	s10 =	ssub.s32 s26, s29  }
0xc: {  	[smem:$0x7FF] =	sst s1;
	s3 =	sadd.s32 $0x1600, s3;
	s30 =	smax.u32 s10, $0x1  }
0xd: {  	s7 =	sshll.u32 s8, $0xA;
	p0 =	sne.s32 s8, $0x0;
	s31 =	sadd.s32 $0xFFFFFFFF, s30  }
0xe: {  	s8 =	simm.s32 $0xC200;
	s9 =	sshll.u32 s6, $0x9;
	p2 =	sne.s32 s31, $0x0  }
.Ltmp0:
0xf: {  	_ =	strace $0x80000047;
	s28 =	sor.u32 s9, s7;
	(pc) =	sbr.rel @!p2 .LBB2_5-.Ltmp0, $4  }
0x10: {  	[dreg:$0x5] =	wrdreg s3;
	s9 =	sshrl.u32 s28, $0x3;
	s6 =	sshll.u32 s28, $0x4  }
0x11: {  	s23 =	sshrl.u32 @!p0 s2, $0x3;
	s21 =	sadd.s32 s4, s9;
	s7 =	sadd.s32 s5, s6  }
0x12: {  	s10 =	simm.s32 $0x7;
	s9 =	simm.s32 $0x8;
	s6 =	simm.s32 $0x9  }
0x13: {  	s5 =	sadd.s32 $0x800, s7;
	s4 =	sadd.s32 $0x1000, s7;
	s3 =	sadd.s32 $0x1800, s7  }
0x14: {  	s24 =	simm.s32 @p0 $0x0;
	s25 =	simm.s32 @p0 $0xA  }
0x15: {  	[tilespmem:s24], [sflag:$0xA] =	stream.linear.gather @p0 [hbm4b:s21+s24], $0x200, $0x38;
	[tilespmem:$0x10280] =	vst v63  }
0x16: {  	_ =	swait.ge @p0 [sflag:s25], $0x200  }
0x17: {  	s26 =	simm.s32 @!p0 $0x1C01;
	s28 =	simm.s32 @!p0 $0x0;
	[sflag:s25] =	ssyncset.done @p0 $0x0  }
0x18: {  	s29 =	simm.s32 @!p0 $0xA;
	s30 =	rddreg [dreg:$0x5];
	[sflag:s25] =	ssyncadd.s32 @p0 $0xFFFFFE00  }
0x19: {  	[spmem:s23], [sflag:s26] =	dma.local @!p0 [hbm:s30], $0x100  }
0x1a: {  	[tilespmem:s28], [sflag:$0xA] =	stream.linear.gather @!p0 [hbm4b:s21+s28], $0x200, $0x38;
	[tilespmem:$0x10280] =	vst v63  }
0x1b: {  	_ =	swait.ge @!p0 [sflag:s29], $0x200  }
0x1c: {  	[sflag:s29] =	ssyncset.done @!p0 $0x0  }
0x1d: {  	s30 =	simm.s32 @!p0 $0x1;
	[sflag:s29] =	ssyncadd.s32 @!p0 $0xFFFFFE00  }
0x1e: {  	_ =	swait.ge @!p0 [sflag:s30], $0x100  }
0x1f: {  	[sflag:s30] =	ssyncset.done @!p0 $0x0  }
0x20: {  	[sflag:s30] =	ssyncadd.s32 @!p0 $0xFFFFFF00  }
0x21: {  	[bflag:$0x0] =	sbarrier.arrive $0xFFFF  }
0x22: {  	[tilespmem:s15], [sflag:$0x2] =	stream.indirect.gather [spmem:s2], $0x80, s1, s17, $0xb8;
	[tilespmem:$0x10280] =	vst v63  }
0x23: {  	_ = 	snop  }
0x24: {  	[tilespmem:s13], [sflag:$0x3] =	stream.indirect.gather [spmem:s2], $0x80, s17, s17, $0xb8;
	[tilespmem:$0x10280] =	vst v63  }
0x25: {  	_ = 	snop  }
0x26: {  	[tilespmem:s11], [sflag:$0x4] =	stream.indirect.gather [spmem:s2], $0x80, s19, s17, $0xb8;
	[tilespmem:$0x10280] =	vst v63  }
0x27: {  	_ = 	snop  }
0x28: {  	[tilespmem:s8], [sflag:$0x5] =	stream.indirect.gather [spmem:s2], $0x80, s22, s17, $0xb8;
	[tilespmem:$0x10280] =	vst v63  }
0x29: {  	_ =	swait.ge [sflag:s20], $0x4000  }
0x2a: {  	[sflag:s20] =	ssyncset.done $0x0  }
0x2b: {  	[sflag:s20] =	ssyncadd.s32 $0xFFFFC000  }
0x2c: {  	[hbm4b:s7+s1] =	stream.linear.scatter [tilespmem:s15], [sflag:$0x6], $0x4000, $0x38;
	[tilespmem:$0x10280] =	vst v63  }
0x2d: {  	_ =	swait.ge [sflag:s18], $0x4000  }
0x2e: {  	[sflag:s18] =	ssyncset.done $0x0  }
0x2f: {  	[sflag:s18] =	ssyncadd.s32 $0xFFFFC000  }
0x30: {  	[hbm4b:s5+s1] =	stream.linear.scatter [tilespmem:s13], [sflag:$0x7], $0x4000, $0x38;
	[tilespmem:$0x10280] =	vst v63  }
0x31: {  	_ =	swait.ge [sflag:s16], $0x4000  }
0x32: {  	[sflag:s16] =	ssyncset.done $0x0  }
0x33: {  	[sflag:s16] =	ssyncadd.s32 $0xFFFFC000  }
0x34: {  	[hbm4b:s4+s1] =	stream.linear.scatter [tilespmem:s11], [sflag:$0x8], $0x4000, $0x38;
	[tilespmem:$0x10280] =	vst v63  }
0x35: {  	_ =	swait.ge [sflag:s14], $0x4000  }
0x36: {  	[sflag:s14] =	ssyncset.done $0x0  }
0x37: {  	[sflag:s14] =	ssyncadd.s32 $0xFFFFC000  }
0x38: {  	[hbm4b:s3+s1] =	stream.linear.scatter [tilespmem:s8], [sflag:$0x9], $0x4000, $0x38;
	[tilespmem:$0x10280] =	vst v63  }
0x39: {  	_ =	swait.ge [sflag:s12], $0x4000  }
0x3a: {  	[sflag:s12] =	ssyncset.done $0x0  }
0x3b: {  	[sflag:s12] =	ssyncadd.s32 $0xFFFFC000  }
0x3c: {  	_ =	swait.ge [sflag:s10], $0x4000  }
0x3d: {  	s31 =	sadd.s32 $0xFFFFFFFF, s31;
	[sflag:s10] =	ssyncset.done $0x0  }
0x3e: {  	p2 =	sne.s32 s31, $0x0;
	[sflag:s10] =	ssyncadd.s32 $0xFFFFC000  }
.Ltmp1:
0x3f: {  	_ =	swait.ge [sflag:s9], $0x4000;
	(pc) =	sbr.rel @!p2 .LBB2_2-.Ltmp1, $4  }
0x40: {  	[sflag:s9] =	ssyncset.done $0x0  }
0x41: {  	[sflag:s9] =	ssyncadd.s32 $0xFFFFC000  }
0x42: {  	_ =	swait.ge [sflag:s6], $0x4000  }
0x43: {  	p1 =	por $0x1, $0x1;
	[sflag:s6] =	ssyncset.done $0x0  }
.LBB2_3:
0x44: {  	[sflag:s6] =	ssyncadd.s32 $0xFFFFC000  }
0x45: {  	[tilespmem:s24], [sflag:$0xA] =	stream.linear.gather @p0 [hbm4b:s21+s24], $0x200, $0x38;
	[tilespmem:$0x10280] =	vst v63  }
0x46: {  	_ =	swait.ge @p0 [sflag:s25], $0x200  }
0x47: {  	[sflag:s25] =	ssyncset.done @p0 $0x0  }
0x48: {  	s0 =	rddreg [dreg:$0x5];
	[sflag:s25] =	ssyncadd.s32 @p0 $0xFFFFFE00  }
0x49: {  	[spmem:s23], [sflag:s26] =	dma.local @!p0 [hbm:s0], $0x100  }
0x4a: {  	[tilespmem:s28], [sflag:$0xA] =	stream.linear.gather @!p0 [hbm4b:s21+s28], $0x200, $0x38;
	[tilespmem:$0x10280] =	vst v63  }
0x4b: {  	_ =	swait.ge @!p0 [sflag:s29], $0x200  }
0x4c: {  	[sflag:s29] =	ssyncset.done @!p0 $0x0  }
0x4d: {  	[sflag:s29] =	ssyncadd.s32 @!p0 $0xFFFFFE00  }
0x4e: {  	_ =	swait.ge @!p0 [sflag:s30], $0x100  }
0x4f: {  	[sflag:s30] =	ssyncset.done @!p0 $0x0  }
0x50: {  	[sflag:s30] =	ssyncadd.s32 @!p0 $0xFFFFFF00  }
0x51: {  	[bflag:$0x0] =	sbarrier.arrive $0xFFFF  }
0x52: {  	[tilespmem:s15], [sflag:$0x2] =	stream.indirect.gather [spmem:s2], $0x80, s1, s17, $0xb8;
	[tilespmem:$0x10280] =	vst v63  }
0x53: {  	_ = 	snop  }
0x54: {  	[tilespmem:s13], [sflag:$0x3] =	stream.indirect.gather [spmem:s2], $0x80, s17, s17, $0xb8;
	[tilespmem:$0x10280] =	vst v63  }
0x55: {  	_ = 	snop  }
0x56: {  	[tilespmem:s11], [sflag:$0x4] =	stream.indirect.gather [spmem:s2], $0x80, s19, s17, $0xb8;
	[tilespmem:$0x10280] =	vst v63  }
0x57: {  	_ = 	snop  }
0x58: {  	[tilespmem:s8], [sflag:$0x5] =	stream.indirect.gather [spmem:s2], $0x80, s22, s17, $0xb8;
	[tilespmem:$0x10280] =	vst v63  }
0x59: {  	_ =	swait.ge [sflag:s20], $0x4000  }
0x5a: {  	[sflag:s20] =	ssyncset.done $0x0  }
0x5b: {  	[sflag:s20] =	ssyncadd.s32 $0xFFFFC000  }
0x5c: {  	[hbm4b:s7+s1] =	stream.linear.scatter [tilespmem:s15], [sflag:$0x6], $0x4000, $0x38;
	[tilespmem:$0x10280] =	vst v63  }
0x5d: {  	_ =	swait.ge [sflag:s18], $0x4000  }
0x5e: {  	[sflag:s18] =	ssyncset.done $0x0  }
0x5f: {  	[sflag:s18] =	ssyncadd.s32 $0xFFFFC000  }
0x60: {  	[hbm4b:s5+s1] =	stream.linear.scatter [tilespmem:s13], [sflag:$0x7], $0x4000, $0x38;
	[tilespmem:$0x10280] =	vst v63  }
0x61: {  	_ =	swait.ge [sflag:s16], $0x4000  }
0x62: {  	[sflag:s16] =	ssyncset.done $0x0  }
0x63: {  	[sflag:s16] =	ssyncadd.s32 $0xFFFFC000  }
0x64: {  	[hbm4b:s4+s1] =	stream.linear.scatter [tilespmem:s11], [sflag:$0x8], $0x4000, $0x38;
	[tilespmem:$0x10280] =	vst v63  }
0x65: {  	_ =	swait.ge [sflag:s14], $0x4000  }
0x66: {  	[sflag:s14] =	ssyncset.done $0x0  }
0x67: {  	[sflag:s14] =	ssyncadd.s32 $0xFFFFC000  }
0x68: {  	[hbm4b:s3+s1] =	stream.linear.scatter [tilespmem:s8], [sflag:$0x9], $0x4000, $0x38;
	[tilespmem:$0x10280] =	vst v63  }
0x69: {  	_ =	swait.ge [sflag:s12], $0x4000  }
0x6a: {  	[sflag:s12] =	ssyncset.done $0x0  }
0x6b: {  	[sflag:s12] =	ssyncadd.s32 $0xFFFFC000  }
0x6c: {  	_ =	swait.ge [sflag:s10], $0x4000  }
0x6d: {  	s31 =	sadd.s32 $0xFFFFFFFF, s31;
	[sflag:s10] =	ssyncset.done $0x0  }
0x6e: {  	p2 =	sne.s32 s31, $0x0;
	[sflag:s10] =	ssyncadd.s32 $0xFFFFC000  }
.Ltmp2:
0x6f: {  	_ =	swait.ge [sflag:s9], $0x4000;
	(pc) =	sbr.rel @p2 .LBB2_3-.Ltmp2, $4  }
0x70: {  	[sflag:s9] =	ssyncset.done $0x0  }
0x71: {  	[sflag:s9] =	ssyncadd.s32 $0xFFFFC000  }
0x72: {  	_ =	swait.ge [sflag:s6], $0x4000  }
0x73: {  	[sflag:s6] =	ssyncset.done $0x0  }
0x74: {  	s25 =	rddreg [dreg:$0x4]  }
.LBB2_5:
0x75: {  	s0 =	simm.s32 @p0 $0x0;
	s24 =	simm.s32 @p0 $0xA;
	[sflag:s6] =	ssyncadd.s32 @p1 $0xFFFFC000  }
0x76: {  	[tilespmem:s0], [sflag:$0xA] =	stream.linear.gather @p0 [hbm4b:s21+s0], $0x200, $0x38;
	[tilespmem:$0x10280] =	vst v63  }
0x77: {  	_ =	swait.ge @p0 [sflag:s24], $0x200  }
0x78: {  	[sflag:s24] =	ssyncset.done @p0 $0x0  }
0x79: {  	s0 =	rddreg [dreg:$0x5];
	[sflag:s24] =	ssyncadd.s32 @p0 $0xFFFFFE00;
	s24 =	simm.s32 @!p0 $0x1C01  }
0x7a: {  	[spmem:s23], [sflag:s24] =	dma.local @!p0 [hbm:s0], $0x100  }
0x7b: {  	s0 =	simm.s32 @!p0 $0x0  }
0x7c: {  	[tilespmem:s0], [sflag:$0xA] =	stream.linear.gather @!p0 [hbm4b:s21+s0], $0x200, $0x38;
	[tilespmem:$0x10280] =	vst v63  }
0x7d: {  	s0 =	simm.s32 @!p0 $0xA  }
0x7e: {  	_ =	swait.ge @!p0 [sflag:s0], $0x200  }
0x7f: {  	[sflag:s0] =	ssyncset.done @!p0 $0x0  }
0x80: {  	[sflag:s0] =	ssyncadd.s32 @!p0 $0xFFFFFE00;
	s0 =	simm.s32 @!p0 $0x1  }
0x81: {  	_ =	swait.ge @!p0 [sflag:s0], $0x100  }
0x82: {  	[sflag:s0] =	ssyncset.done @!p0 $0x0  }
0x83: {  	[sflag:s0] =	ssyncadd.s32 @!p0 $0xFFFFFF00  }
0x84: {  	[bflag:$0x0] =	sbarrier.arrive $0xFFFF  }
0x85: {  	[tilespmem:s15], [sflag:$0x2] =	stream.indirect.gather [spmem:s2], $0x80, s1, s17, $0xb8;
	[tilespmem:$0x10280] =	vst v63  }
0x86: {  	_ = 	snop  }
0x87: {  	[tilespmem:s13], [sflag:$0x3] =	stream.indirect.gather [spmem:s2], $0x80, s17, s17, $0xb8;
	[tilespmem:$0x10280] =	vst v63  }
0x88: {  	_ = 	snop  }
0x89: {  	[tilespmem:s11], [sflag:$0x4] =	stream.indirect.gather [spmem:s2], $0x80, s19, s17, $0xb8;
	[tilespmem:$0x10280] =	vst v63  }
0x8a: {  	_ = 	snop  }
0x8b: {  	[tilespmem:s8], [sflag:$0x5] =	stream.indirect.gather [spmem:s2], $0x80, s22, s17, $0xb8;
	[tilespmem:$0x10280] =	vst v63  }
0x8c: {  	_ =	swait.ge [sflag:s20], $0x4000  }
0x8d: {  	[sflag:s20] =	ssyncset.done $0x0  }
0x8e: {  	[sflag:s20] =	ssyncadd.s32 $0xFFFFC000  }
0x8f: {  	[hbm4b:s7+s1] =	stream.linear.scatter [tilespmem:s15], [sflag:$0x6], $0x4000, $0x38;
	[tilespmem:$0x10280] =	vst v63  }
0x90: {  	_ =	swait.ge [sflag:s18], $0x4000  }
0x91: {  	[sflag:s18] =	ssyncset.done $0x0  }
0x92: {  	[sflag:s18] =	ssyncadd.s32 $0xFFFFC000  }
0x93: {  	[hbm4b:s5+s1] =	stream.linear.scatter [tilespmem:s13], [sflag:$0x7], $0x4000, $0x38;
	[tilespmem:$0x10280] =	vst v63  }
0x94: {  	_ =	swait.ge [sflag:s16], $0x4000  }
0x95: {  	[sflag:s16] =	ssyncset.done $0x0  }
0x96: {  	[sflag:s16] =	ssyncadd.s32 $0xFFFFC000  }
0x97: {  	[hbm4b:s4+s1] =	stream.linear.scatter [tilespmem:s11], [sflag:$0x8], $0x4000, $0x38;
	[tilespmem:$0x10280] =	vst v63  }
0x98: {  	_ =	swait.ge [sflag:s14], $0x4000  }
0x99: {  	[sflag:s14] =	ssyncset.done $0x0  }
0x9a: {  	[sflag:s14] =	ssyncadd.s32 $0xFFFFC000  }
0x9b: {  	[hbm4b:s3+s1] =	stream.linear.scatter [tilespmem:s8], [sflag:$0x9], $0x4000, $0x38;
	[tilespmem:$0x10280] =	vst v63  }
0x9c: {  	_ =	swait.ge [sflag:s12], $0x4000  }
0x9d: {  	[sflag:s12] =	ssyncset.done $0x0  }
0x9e: {  	[sflag:s12] =	ssyncadd.s32 $0xFFFFC000  }
0x9f: {  	_ =	swait.ge [sflag:s10], $0x4000  }
0xa0: {  	[sflag:s10] =	ssyncset.done $0x0  }
0xa1: {  	[sflag:s10] =	ssyncadd.s32 $0xFFFFC000  }
0xa2: {  	_ =	swait.ge [sflag:s9], $0x4000  }
0xa3: {  	[sflag:s9] =	ssyncset.done $0x0  }
0xa4: {  	[sflag:s9] =	ssyncadd.s32 $0xFFFFC000  }
0xa5: {  	_ =	swait.ge [sflag:s6], $0x4000  }
0xa6: {  	[sflag:s6] =	ssyncset.done $0x0  }
0xa7: {  	[sflag:s6] =	ssyncadd.s32 $0xFFFFC000  }
0xa8: {  	_ =	sfence.sel $0x180000  }
0xa9: {  	[bflag:$0x0] =	sbarrier.arrive $0xFFFF  }
0xaa: {  	_ =	strace $0x90000047  }
0xab: {  	s0 =	sadd.s32 @!p0 $0x100000, s25;
	[bflag:$0x2] =	sbarrier.arrive $0xFFFF  }
0xac: {  	[sflag:s0] =	ssyncadd.tile.s32 @!p0 $0x1;
	_ =	shalt  }
.LBB2_2:
.Ltmp3:
0xad: {  	(pc) =	sbr.rel .LBB2_5-.Ltmp3, $2  }
0xae: {  	_ =	sdelay $0x2  }
0xaf: {  	s25 =	rddreg [dreg:$0x4]  }
.Lfunc_end2:
_tile_overlayer_lowered:
.L_overlay_start_2:
0xb0: {  	(tag) =	ssettag $0x2  }
0xb1: {  	s0 =	rddreg [dreg:$0x0];
	s2 =	stileid.u32  }
0xb2: {  	s1 =	rddreg [dreg:$0x1];
	p0 =	sne.s32 s2, $0x0  }
0xb3: {  	s3 =	rddreg [dreg:$0x2];
	[bflag:$0x3] =	sbarrier.arrive $0xFFFF;
	s2 =	simm.s32 @!p0 $0x1C0A  }
0xb4: {  	[timem:s3], [sflag:s2] =	dma.local @!p0 [hbm:s0], s1  }
0xb5: {  	s0 =	simm.s32 @!p0 $0xA  }
0xb6: {  	_ =	swait.ge @!p0 [sflag:s0], s1  }
0xb7: {  	s1 =	ssub.s32 @!p0 $0x0, s1;
	[sflag:s0] =	ssyncset.done @!p0 $0x0  }
0xb8: {  	[sflag:s0] =	ssyncadd.s32 @!p0 s1  }
0xb9: {  	[bflag:$0x3] =	sbarrier.arrive $0xFFFF  }
0xba: {  	_ =	shalt  }

</sc_bundles>
